<compile_context>
chip_gen: v7x
topology: tpu7x:2x2x1
jax: 0.10.2.dev20260603
libtpu: 0.0.44.dev20260713+nightly
codegen_flags: <defaults>
</compile_context>

<pallas_src>
import jax
import jax.numpy as jnp
from jax import lax
from jax.experimental import pallas as pl
from jax.experimental.pallas import tpu as pltpu
from jax.experimental.pallas import tpu_sc as plsc

_ROWS = 96
_COLS = 16384

_INFO = plsc.get_sparse_core_info()
_NC = _INFO.num_cores
_NS = _INFO.num_subcores
_NW = _NC * _NS
_COLS_PER_W = _COLS // _NW


def _add1_worker(x_hbm, o_hbm, buf, sem):
    wid = lax.axis_index("s") * _NC + lax.axis_index("c")
    base = wid * _COLS_PER_W
    pltpu.async_copy(x_hbm.at[:, pl.ds(base, _COLS_PER_W)], buf, sem).wait()

    @pl.loop(0, _ROWS)
    def _row(r):
        @pl.loop(0, _COLS_PER_W, step=16, unroll=8)
        def _add(o):
            buf[r, pl.ds(o, 16)] = buf[r, pl.ds(o, 16)] + 1.0

    pltpu.async_copy(buf, o_hbm.at[:, pl.ds(base, _COLS_PER_W)], sem).wait()


def kernel(input_xyzs):
    b, n, c = input_xyzs.shape
    x = jnp.transpose(input_xyzs, (2, 0, 1)).reshape(c * b, n)
    sc_kernel = pl.kernel(
        _add1_worker,
        out_type=jax.ShapeDtypeStruct((c * b, n), jnp.float32),
        mesh=plsc.VectorSubcoreMesh(core_axis_name="c", subcore_axis_name="s"),
        scratch_types=[
            pltpu.VMEM((_ROWS, _COLS_PER_W), jnp.float32),
            pltpu.SemaphoreType.DMA,
        ],
    )
    out = sc_kernel(x)
    return jnp.transpose(out.reshape(c, b, n), (1, 2, 0))

# --- scband reference (transcript-rebuilt; emitter-appended) ---
"""Pipeline reference for scband-pcsample-layer-88527865905297 (READ-ONLY COPY).

The authoritative reference and input builder live on the scoring server;
editing this copy changes nothing except your own understanding.
"""

import jax, jax.numpy as jnp
import numpy as np


def setup_inputs(seed: int = 0) -> dict:
    key = jax.random.key(seed)
    input_xyzs = jax.random.normal(key, (32, 16384, 3), dtype=jnp.float32)
    return {"input_xyzs": input_xyzs}


def reference(input_xyzs):
    # PCSample.forward is a stub that returns input_xyzs + 1 (the real
    # sampling op only exists via the ONNX symbolic). Faithful translation:
    return input_xyzs + 1

if __name__ == "__main__":
    import jax
    _d = setup_inputs()
    print(jax.jit(kernel)(*tuple(_d.values())))

</pallas_src>

<mosaic_0001>
#map = affine_map<(d0, d1) -> (0, 0)>
module attributes {stable_mosaic.version = 14 : i64} {
  func.func @_add1_worker(%arg0: i32, %arg1: i32, %arg2: memref<96x16384xf32, #tpu.memory_space<hbm>>, %arg3: memref<96x16384xf32, #tpu.memory_space<hbm>>, %arg4: memref<96x512xf32, #tpu.memory_space<vmem>>, %arg5: memref<!tpu.dma_semaphore, #tpu.memory_space<semaphore_mem>>) attributes {dimension_semantics = [#tpu.dimension_semantics<core_parallel>, #tpu.dimension_semantics<subcore_parallel>], iteration_bounds = array<i64: 2, 16>, scalar_prefetch = 0 : i64, scratch_operands = 2 : i64, tpu.core_type = #tpu.core_type<sc_vector_subcore>, window_params = [{transform_indices = #map}, {transform_indices = #map}]} {
    %mul3A = arith.constant 2 : i32
    %mul3A_0 = arith.muli %arg1, %mul3A : i32
    %add3A = arith.addi %mul3A_0, %arg0 : i32
    %mul3A_1 = arith.constant 512 : i32
    %mul3A_2 = arith.muli %add3A, %mul3A_1 : i32
    %dma_start3A = arith.constant 0 : i32
    %dma_start3A_3 = tpu.memref_slice %arg2[%dma_start3A, %mul3A_2] : memref<96x16384xf32, #tpu.memory_space<hbm>> -> memref<96x512xf32, #tpu.memory_space<hbm>>
    %dma_start3A_4 = arith.constant 0 : i32
    %dma_start3A_5 = tpu.memref_slice %arg2[%dma_start3A_4, %mul3A_2] : memref<96x16384xf32, #tpu.memory_space<hbm>> -> memref<96x512xf32, #tpu.memory_space<hbm>>
    tpu.enqueue_dma source(%dma_start3A_5 : memref<96x512xf32, #tpu.memory_space<hbm>>) target(%arg4 : memref<96x512xf32, #tpu.memory_space<vmem>>) target_semaphore(%arg5 : memref<!tpu.dma_semaphore, #tpu.memory_space<semaphore_mem>>)
    %dma_wait3A = arith.constant 0 : i32
    %dma_wait3A_6 = tpu.memref_slice %arg2[%dma_wait3A, %mul3A_2] : memref<96x16384xf32, #tpu.memory_space<hbm>> -> memref<96x512xf32, #tpu.memory_space<hbm>>
    %dma_wait3A_7 = arith.constant 0 : i32
    %dma_wait3A_8 = tpu.memref_slice %arg2[%dma_wait3A_7, %mul3A_2] : memref<96x16384xf32, #tpu.memory_space<hbm>> -> memref<96x512xf32, #tpu.memory_space<hbm>>
    tpu.wait_dma2 semaphore(%arg5 : memref<!tpu.dma_semaphore, #tpu.memory_space<semaphore_mem>>) src(%dma_wait3A_8 : memref<96x512xf32, #tpu.memory_space<hbm>>) dst(%arg4 : memref<96x512xf32, #tpu.memory_space<vmem>>)
    %scan3A = arith.constant 0 : i32
    %scan3A_9 = arith.constant 96 : i32
    %scan3A_10 = arith.addi %scan3A, %scan3A_9 : i32
    %scan3A_11 = arith.constant 1 : i32
    scf.for %scan3A_21 = %scan3A to %scan3A_10 step %scan3A_11  : i32 {
      %mul3A_22 = arith.constant 1 : i32
      %mul3A_23 = arith.muli %scan3A_21, %mul3A_22 : i32
      %add3A_24 = arith.constant 0 : i32
      %add3A_25 = arith.addi %add3A_24, %mul3A_23 : i32
      %scan3A_26 = arith.constant 0 : i32
      %scan3A_27 = arith.constant 32 : i32
      %scan3A_28 = arith.addi %scan3A_26, %scan3A_27 : i32
      %scan3A_29 = arith.constant 8 : i32
      scf.for %scan3A_31 = %scan3A_26 to %scan3A_28 step %scan3A_29  : i32 {
        %mul3A_32 = arith.constant 16 : i32
        %mul3A_33 = arith.muli %scan3A_31, %mul3A_32 : i32
        %add3A_34 = arith.constant 0 : i32
        %add3A_35 = arith.addi %add3A_34, %mul3A_33 : i32
        %get3A = arith.index_cast %add3A_25 : i32 to index
        %get3A_36 = arith.index_cast %add3A_35 : i32 to index
        %get3A_37 = tpu.vector_load %arg4[%get3A, %get3A_36] {strides = array<i32>} : memref<96x512xf32, #tpu.memory_space<vmem>>, vector<1x16xf32>,
        %get3A_38 = vector.shape_cast %get3A_37 : vector<1x16xf32> to vector<16xf32>
        %add3A_39 = arith.constant 1.000000e+00 : f32
        %add3A_40 = vector.broadcast %add3A_39 : f32 to vector<16xf32>
        %add3A_41 = arith.addf %get3A_38, %add3A_40 : vector<16xf32>
        %swap3A = arith.index_cast %add3A_25 : i32 to index
        %swap3A_42 = arith.index_cast %add3A_35 : i32 to index
        %swap3A_43 = tpu.vector_load %arg4[%swap3A, %swap3A_42] {strides = array<i32>} : memref<96x512xf32, #tpu.memory_space<vmem>>, vector<1x16xf32>,
        %swap3A_44 = vector.shape_cast %swap3A_43 : vector<1x16xf32> to vector<16xf32>
        %swap3A_45 = vector.shape_cast %add3A_41 : vector<16xf32> to vector<1x16xf32>
        tpu.vector_store %arg4[%swap3A, %swap3A_42], %swap3A_45 {strides = array<i32>} : memref<96x512xf32, #tpu.memory_space<vmem>>, vector<1x16xf32>,
        %scan3A_46 = arith.constant 1 : i32
        %scan3A_47 = arith.addi %scan3A_31, %scan3A_46 : i32
        %mul3A_48 = arith.constant 16 : i32
        %mul3A_49 = arith.muli %scan3A_47, %mul3A_48 : i32
        %add3A_50 = arith.constant 0 : i32
        %add3A_51 = arith.addi %add3A_50, %mul3A_49 : i32
        %get3A_52 = arith.index_cast %add3A_25 : i32 to index
        %get3A_53 = arith.index_cast %add3A_51 : i32 to index
        %get3A_54 = tpu.vector_load %arg4[%get3A_52, %get3A_53] {strides = array<i32>} : memref<96x512xf32, #tpu.memory_space<vmem>>, vector<1x16xf32>,
        %get3A_55 = vector.shape_cast %get3A_54 : vector<1x16xf32> to vector<16xf32>
        %add3A_56 = arith.constant 1.000000e+00 : f32
        %add3A_57 = vector.broadcast %add3A_56 : f32 to vector<16xf32>
        %add3A_58 = arith.addf %get3A_55, %add3A_57 : vector<16xf32>
        %swap3A_59 = arith.index_cast %add3A_25 : i32 to index
        %swap3A_60 = arith.index_cast %add3A_51 : i32 to index
        %swap3A_61 = tpu.vector_load %arg4[%swap3A_59, %swap3A_60] {strides = array<i32>} : memref<96x512xf32, #tpu.memory_space<vmem>>, vector<1x16xf32>,
        %swap3A_62 = vector.shape_cast %swap3A_61 : vector<1x16xf32> to vector<16xf32>
        %swap3A_63 = vector.shape_cast %add3A_58 : vector<16xf32> to vector<1x16xf32>
        tpu.vector_store %arg4[%swap3A_59, %swap3A_60], %swap3A_63 {strides = array<i32>} : memref<96x512xf32, #tpu.memory_space<vmem>>, vector<1x16xf32>,
        %scan3A_64 = arith.constant 2 : i32
        %scan3A_65 = arith.addi %scan3A_31, %scan3A_64 : i32
        %mul3A_66 = arith.constant 16 : i32
        %mul3A_67 = arith.muli %scan3A_65, %mul3A_66 : i32
        %add3A_68 = arith.constant 0 : i32
        %add3A_69 = arith.addi %add3A_68, %mul3A_67 : i32
        %get3A_70 = arith.index_cast %add3A_25 : i32 to index
        %get3A_71 = arith.index_cast %add3A_69 : i32 to index
        %get3A_72 = tpu.vector_load %arg4[%get3A_70, %get3A_71] {strides = array<i32>} : memref<96x512xf32, #tpu.memory_space<vmem>>, vector<1x16xf32>,
        %get3A_73 = vector.shape_cast %get3A_72 : vector<1x16xf32> to vector<16xf32>
        %add3A_74 = arith.constant 1.000000e+00 : f32
        %add3A_75 = vector.broadcast %add3A_74 : f32 to vector<16xf32>
        %add3A_76 = arith.addf %get3A_73, %add3A_75 : vector<16xf32>
        %swap3A_77 = arith.index_cast %add3A_25 : i32 to index
        %swap3A_78 = arith.index_cast %add3A_69 : i32 to index
        %swap3A_79 = tpu.vector_load %arg4[%swap3A_77, %swap3A_78] {strides = array<i32>} : memref<96x512xf32, #tpu.memory_space<vmem>>, vector<1x16xf32>,
        %swap3A_80 = vector.shape_cast %swap3A_79 : vector<1x16xf32> to vector<16xf32>
        %swap3A_81 = vector.shape_cast %add3A_76 : vector<16xf32> to vector<1x16xf32>
        tpu.vector_store %arg4[%swap3A_77, %swap3A_78], %swap3A_81 {strides = array<i32>} : memref<96x512xf32, #tpu.memory_space<vmem>>, vector<1x16xf32>,
        %scan3A_82 = arith.constant 3 : i32
        %scan3A_83 = arith.addi %scan3A_31, %scan3A_82 : i32
        %mul3A_84 = arith.constant 16 : i32
        %mul3A_85 = arith.muli %scan3A_83, %mul3A_84 : i32
        %add3A_86 = arith.constant 0 : i32
        %add3A_87 = arith.addi %add3A_86, %mul3A_85 : i32
        %get3A_88 = arith.index_cast %add3A_25 : i32 to index
        %get3A_89 = arith.index_cast %add3A_87 : i32 to index
        %get3A_90 = tpu.vector_load %arg4[%get3A_88, %get3A_89] {strides = array<i32>} : memref<96x512xf32, #tpu.memory_space<vmem>>, vector<1x16xf32>,
        %get3A_91 = vector.shape_cast %get3A_90 : vector<1x16xf32> to vector<16xf32>
        %add3A_92 = arith.constant 1.000000e+00 : f32
        %add3A_93 = vector.broadcast %add3A_92 : f32 to vector<16xf32>
        %add3A_94 = arith.addf %get3A_91, %add3A_93 : vector<16xf32>
        %swap3A_95 = arith.index_cast %add3A_25 : i32 to index
        %swap3A_96 = arith.index_cast %add3A_87 : i32 to index
        %swap3A_97 = tpu.vector_load %arg4[%swap3A_95, %swap3A_96] {strides = array<i32>} : memref<96x512xf32, #tpu.memory_space<vmem>>, vector<1x16xf32>,
        %swap3A_98 = vector.shape_cast %swap3A_97 : vector<1x16xf32> to vector<16xf32>
        %swap3A_99 = vector.shape_cast %add3A_94 : vector<16xf32> to vector<1x16xf32>
        tpu.vector_store %arg4[%swap3A_95, %swap3A_96], %swap3A_99 {strides = array<i32>} : memref<96x512xf32, #tpu.memory_space<vmem>>, vector<1x16xf32>,
        %scan3A_100 = arith.constant 4 : i32
        %scan3A_101 = arith.addi %scan3A_31, %scan3A_100 : i32
        %mul3A_102 = arith.constant 16 : i32
        %mul3A_103 = arith.muli %scan3A_101, %mul3A_102 : i32
        %add3A_104 = arith.constant 0 : i32
        %add3A_105 = arith.addi %add3A_104, %mul3A_103 : i32
        %get3A_106 = arith.index_cast %add3A_25 : i32 to index
        %get3A_107 = arith.index_cast %add3A_105 : i32 to index
        %get3A_108 = tpu.vector_load %arg4[%get3A_106, %get3A_107] {strides = array<i32>} : memref<96x512xf32, #tpu.memory_space<vmem>>, vector<1x16xf32>,
        %get3A_109 = vector.shape_cast %get3A_108 : vector<1x16xf32> to vector<16xf32>
        %add3A_110 = arith.constant 1.000000e+00 : f32
        %add3A_111 = vector.broadcast %add3A_110 : f32 to vector<16xf32>
        %add3A_112 = arith.addf %get3A_109, %add3A_111 : vector<16xf32>
        %swap3A_113 = arith.index_cast %add3A_25 : i32 to index
        %swap3A_114 = arith.index_cast %add3A_105 : i32 to index
        %swap3A_115 = tpu.vector_load %arg4[%swap3A_113, %swap3A_114] {strides = array<i32>} : memref<96x512xf32, #tpu.memory_space<vmem>>, vector<1x16xf32>,
        %swap3A_116 = vector.shape_cast %swap3A_115 : vector<1x16xf32> to vector<16xf32>
        %swap3A_117 = vector.shape_cast %add3A_112 : vector<16xf32> to vector<1x16xf32>
        tpu.vector_store %arg4[%swap3A_113, %swap3A_114], %swap3A_117 {strides = array<i32>} : memref<96x512xf32, #tpu.memory_space<vmem>>, vector<1x16xf32>,
        %scan3A_118 = arith.constant 5 : i32
        %scan3A_119 = arith.addi %scan3A_31, %scan3A_118 : i32
        %mul3A_120 = arith.constant 16 : i32
        %mul3A_121 = arith.muli %scan3A_119, %mul3A_120 : i32
        %add3A_122 = arith.constant 0 : i32
        %add3A_123 = arith.addi %add3A_122, %mul3A_121 : i32
        %get3A_124 = arith.index_cast %add3A_25 : i32 to index
        %get3A_125 = arith.index_cast %add3A_123 : i32 to index
        %get3A_126 = tpu.vector_load %arg4[%get3A_124, %get3A_125] {strides = array<i32>} : memref<96x512xf32, #tpu.memory_space<vmem>>, vector<1x16xf32>,
        %get3A_127 = vector.shape_cast %get3A_126 : vector<1x16xf32> to vector<16xf32>
        %add3A_128 = arith.constant 1.000000e+00 : f32
        %add3A_129 = vector.broadcast %add3A_128 : f32 to vector<16xf32>
        %add3A_130 = arith.addf %get3A_127, %add3A_129 : vector<16xf32>
        %swap3A_131 = arith.index_cast %add3A_25 : i32 to index
        %swap3A_132 = arith.index_cast %add3A_123 : i32 to index
        %swap3A_133 = tpu.vector_load %arg4[%swap3A_131, %swap3A_132] {strides = array<i32>} : memref<96x512xf32, #tpu.memory_space<vmem>>, vector<1x16xf32>,
        %swap3A_134 = vector.shape_cast %swap3A_133 : vector<1x16xf32> to vector<16xf32>
        %swap3A_135 = vector.shape_cast %add3A_130 : vector<16xf32> to vector<1x16xf32>
        tpu.vector_store %arg4[%swap3A_131, %swap3A_132], %swap3A_135 {strides = array<i32>} : memref<96x512xf32, #tpu.memory_space<vmem>>, vector<1x16xf32>,
        %scan3A_136 = arith.constant 6 : i32
        %scan3A_137 = arith.addi %scan3A_31, %scan3A_136 : i32
        %mul3A_138 = arith.constant 16 : i32
        %mul3A_139 = arith.muli %scan3A_137, %mul3A_138 : i32
        %add3A_140 = arith.constant 0 : i32
        %add3A_141 = arith.addi %add3A_140, %mul3A_139 : i32
        %get3A_142 = arith.index_cast %add3A_25 : i32 to index
        %get3A_143 = arith.index_cast %add3A_141 : i32 to index
        %get3A_144 = tpu.vector_load %arg4[%get3A_142, %get3A_143] {strides = array<i32>} : memref<96x512xf32, #tpu.memory_space<vmem>>, vector<1x16xf32>,
        %get3A_145 = vector.shape_cast %get3A_144 : vector<1x16xf32> to vector<16xf32>
        %add3A_146 = arith.constant 1.000000e+00 : f32
        %add3A_147 = vector.broadcast %add3A_146 : f32 to vector<16xf32>
        %add3A_148 = arith.addf %get3A_145, %add3A_147 : vector<16xf32>
        %swap3A_149 = arith.index_cast %add3A_25 : i32 to index
        %swap3A_150 = arith.index_cast %add3A_141 : i32 to index
        %swap3A_151 = tpu.vector_load %arg4[%swap3A_149, %swap3A_150] {strides = array<i32>} : memref<96x512xf32, #tpu.memory_space<vmem>>, vector<1x16xf32>,
        %swap3A_152 = vector.shape_cast %swap3A_151 : vector<1x16xf32> to vector<16xf32>
        %swap3A_153 = vector.shape_cast %add3A_148 : vector<16xf32> to vector<1x16xf32>
        tpu.vector_store %arg4[%swap3A_149, %swap3A_150], %swap3A_153 {strides = array<i32>} : memref<96x512xf32, #tpu.memory_space<vmem>>, vector<1x16xf32>,
        %scan3A_154 = arith.constant 7 : i32
        %scan3A_155 = arith.addi %scan3A_31, %scan3A_154 : i32
        %mul3A_156 = arith.constant 16 : i32
        %mul3A_157 = arith.muli %scan3A_155, %mul3A_156 : i32
        %add3A_158 = arith.constant 0 : i32
        %add3A_159 = arith.addi %add3A_158, %mul3A_157 : i32
        %get3A_160 = arith.index_cast %add3A_25 : i32 to index
        %get3A_161 = arith.index_cast %add3A_159 : i32 to index
        %get3A_162 = tpu.vector_load %arg4[%get3A_160, %get3A_161] {strides = array<i32>} : memref<96x512xf32, #tpu.memory_space<vmem>>, vector<1x16xf32>,
        %get3A_163 = vector.shape_cast %get3A_162 : vector<1x16xf32> to vector<16xf32>
        %add3A_164 = arith.constant 1.000000e+00 : f32
        %add3A_165 = vector.broadcast %add3A_164 : f32 to vector<16xf32>
        %add3A_166 = arith.addf %get3A_163, %add3A_165 : vector<16xf32>
        %swap3A_167 = arith.index_cast %add3A_25 : i32 to index
        %swap3A_168 = arith.index_cast %add3A_159 : i32 to index
        %swap3A_169 = tpu.vector_load %arg4[%swap3A_167, %swap3A_168] {strides = array<i32>} : memref<96x512xf32, #tpu.memory_space<vmem>>, vector<1x16xf32>,
        %swap3A_170 = vector.shape_cast %swap3A_169 : vector<1x16xf32> to vector<16xf32>
        %swap3A_171 = vector.shape_cast %add3A_166 : vector<16xf32> to vector<1x16xf32>
        tpu.vector_store %arg4[%swap3A_167, %swap3A_168], %swap3A_171 {strides = array<i32>} : memref<96x512xf32, #tpu.memory_space<vmem>>, vector<1x16xf32>,
      }
      %scan3A_30 = arith.constant 32 : i32
    }
    %scan3A_12 = arith.constant 96 : i32
    %dma_start3A_13 = arith.constant 0 : i32
    %dma_start3A_14 = tpu.memref_slice %arg3[%dma_start3A_13, %mul3A_2] : memref<96x16384xf32, #tpu.memory_space<hbm>> -> memref<96x512xf32, #tpu.memory_space<hbm>>
    %dma_start3A_15 = arith.constant 0 : i32
    %dma_start3A_16 = tpu.memref_slice %arg3[%dma_start3A_15, %mul3A_2] : memref<96x16384xf32, #tpu.memory_space<hbm>> -> memref<96x512xf32, #tpu.memory_space<hbm>>
    tpu.enqueue_dma source(%arg4 : memref<96x512xf32, #tpu.memory_space<vmem>>) target(%dma_start3A_16 : memref<96x512xf32, #tpu.memory_space<hbm>>) target_semaphore(%arg5 : memref<!tpu.dma_semaphore, #tpu.memory_space<semaphore_mem>>)
    %dma_wait3A_17 = arith.constant 0 : i32
    %dma_wait3A_18 = tpu.memref_slice %arg3[%dma_wait3A_17, %mul3A_2] : memref<96x16384xf32, #tpu.memory_space<hbm>> -> memref<96x512xf32, #tpu.memory_space<hbm>>
    %dma_wait3A_19 = arith.constant 0 : i32
    %dma_wait3A_20 = tpu.memref_slice %arg3[%dma_wait3A_19, %mul3A_2] : memref<96x16384xf32, #tpu.memory_space<hbm>> -> memref<96x512xf32, #tpu.memory_space<hbm>>
    tpu.wait_dma2 semaphore(%arg5 : memref<!tpu.dma_semaphore, #tpu.memory_space<semaphore_mem>>) src(%arg4 : memref<96x512xf32, #tpu.memory_space<vmem>>) dst(%dma_wait3A_20 : memref<96x512xf32, #tpu.memory_space<hbm>>)
    return
  }
}

</mosaic_0001>

<sc_bundles>
// kernel: kernel.3.cloned.1.call-start
scs
__scs_entry_jumppad:
0x0: {  	(pc) =	sbr.rel $0x88, $3  }
0x1: {  	(tag) =	ssettag $0x0;
	lr =	simm.s32 $0x1  }
0x2: {  	[smem:$0x3FA0] =	sst lr;
	_ =	strace $0xD0000000  }
0x3: {  	_ = 	snop  }
0x4: {  	_ = 	snop  }
0x5: {  	_ = 	snop  }
0x6: {  	_ = 	snop  }
0x7: {  	_ = 	snop  }
__scs_overlays_trampoline_lowered:
0x8: {  	[smem:$0x3FAF] =	sst s0  }
0x9: {  	[smem:$0x3FB0] =	sst s1  }
0xa: {  	[smem:$0x3FB1] =	sst s2  }
0xb: {  	[smem:$0x3FB2] =	sst s3  }
0xc: {  	[smem:$0x3FB3] =	sst s4  }
0xd: {  	[smem:$0x3FB4] =	sst s5  }
0xe: {  	[smem:$0x3FB5] =	sst s6  }
0xf: {  	[smem:$0x3FB6] =	sst s7  }
0x10: {  	[smem:$0x3FB7] =	sst s8  }
0x11: {  	[smem:$0x3FB8] =	sst s9;
	s0 =	simm.s32 @!p0 $0x0  }
0x12: {  	s1 =	sld [smem:$0x3F9E];
	s0 =	simm.s32 @p0 $0x1  }
0x13: {  	[smem:$0x3FB9] =	sst s0;
	s0 =	simm.s32 @!p1 $0x0  }
0x14: {  	s2 =	sld [smem:$0x3F9D];
	s0 =	simm.s32 @p1 $0x1  }
0x15: {  	[smem:$0x3FBA] =	sst s0;
	s0 =	simm.s32 @!p2 $0x0  }
0x16: {  	s3 =	sld [smem:$0x3FDB];
	s0 =	simm.s32 @p2 $0x1  }
0x17: {  	s4 =	simm.s32 $0x1BF5;
	[smem:$0x3FBC] =	sst s0  }
0x18: {  	s0 =	sld [smem:$0x3F9F];
	_ =	swait.ge [sflag:s4], $0x0  }
0x19: {  	s7 =	sld [smem:$0x3FA0]  }
0x1a: {  	s8 =	sadd.s32 $0xFFFFE003, lr  }
0x1b: {  	s9 =	sadd.s32 $0xFFFFFEF7, lr;
	s5 =	simm.s32 $0xFFFFFFFF;
	p2 =	slt.u32 s8, $0xFFFFF086  }
0x1c: {  	p1 =	slt.u32 s9, $0xF7A;
	s5 =	simm.s32 @!p2 $0x0  }
0x1d: {  	s5 =	simm.s32 @p1 $0x1;
	p0 =	seq.s32 s7, s2  }
0x1e: {  	s7 =	smul.u32 @!p0 $0xF7A, s2;
	p2 =	seq.s32 @!p0 s5, $0x0  }
0x1f: {  	s9 =	smul.u32 $0xF7A, s1;
	s8 =	simm.s32 @!p0 $0x1BF5;
	p2 =	por !p2, p0  }
0x20: {  	[sflag:s8] =	ssyncset.s32 @!p0 $0xFFFFF086;
	s6 =	sadd.s32 @!p0 s3, s7;
	s7 =	simm.s32 @!p0 $0x108  }
0x21: {  	s3 =	sadd.s32 s3, s9;
	s6 =	sadd.s32 @!p0 $0x88, s6;
	s7 =	simm.s32 @p2 $0x1082  }
0x22: {  	[simem:s7], [sflag:s8] =	dma.local @!p0 [hbm:s6], $0xF7A  }
0x23: {  	s9 =	sor.u32 $0xD0000000, s2;
	s6 =	simm.s32 $0x108;
	_ =	swait.ge @!p0 [sflag:s8], $0x0  }
0x24: {  	s3 =	sadd.s32 $0x88, s3;
	s6 =	simm.s32 @!p1 $0x1082;
	[sflag:s4] =	ssyncset.s32 $0xFFFFF086  }
0x25: {  	[simem:s6], [sflag:s4] =	dma.local [hbm:s3], $0xF7A  }
0x26: {  	[smem:$0x3FA0] =	sst s1;
	(tag) =	ssettag s2;
	_ =	strace s9  }
0x27: {  	s1 =	sld [smem:$0x3FB0]  }
0x28: {  	s2 =	sld [smem:$0x3FB1]  }
0x29: {  	s4 =	sld [smem:$0x3FB3]  }
0x2a: {  	p0 =	seq.s32 s5, $0x0;
	s5 =	sld [smem:$0x3FB4]  }
0x2b: {  	s6 =	sld [smem:$0x3FB5]  }
0x2c: {  	s7 =	sld [smem:$0x3FB6]  }
0x2d: {  	s3 =	simm.s32 $0x108;
	s8 =	sld [smem:$0x3FB7]  }
0x2e: {  	s3 =	simm.s32 @!p0 $0x1082;
	s9 =	sld [smem:$0x3FB8]  }
0x2f: {  	lr =	sadd.s32 s0, s3;
	s0 =	sld [smem:$0x3FAF]  }
0x30: {  	s3 =	sld [smem:$0x3FB2]  }
0x31: {  	[smem:$0x3FBB] =	sst s10  }
0x32: {  	s10 =	sld [smem:$0x3FB9];
	_ =	sdelay $0x3  }
0x33: {  	p0 =	seq.s32 s10, $0x1;
	s10 =	sld [smem:$0x3FBB];
	_ =	sdelay $0x3  }
0x34: {  	[smem:$0x3FBB] =	sst s10  }
0x35: {  	s10 =	sld [smem:$0x3FBA];
	_ =	sdelay $0x3  }
0x36: {  	p1 =	seq.s32 s10, $0x1;
	s10 =	sld [smem:$0x3FBB];
	_ =	sdelay $0x3  }
0x37: {  	[smem:$0x3FBB] =	sst s10  }
0x38: {  	s10 =	sld [smem:$0x3FBC]  }
0x39: {  	_ = 	snop;
	(pc) =	sbr.ind lr, $3  }
0x3a: {  	_ = 	snop  }
0x3b: {  	_ = 	snop  }
0x3c: {  	p2 =	seq.s32 s10, $0x1;
	s10 =	sld [smem:$0x3FBB]  }
0x3d: {  	_ =	shalt  }
0x3e: {  	_ =	shalt  }
0x3f: {  	_ =	shalt  }
0x40: {  	_ =	shalt  }
0x41: {  	_ =	shalt  }
0x42: {  	_ =	shalt  }
0x43: {  	_ =	shalt  }
0x44: {  	_ =	shalt  }
0x45: {  	_ =	shalt  }
0x46: {  	_ =	shalt  }
0x47: {  	_ =	shalt  }
0x48: {  	_ =	shalt  }
0x49: {  	_ =	shalt  }
0x4a: {  	_ =	shalt  }
0x4b: {  	_ =	shalt  }
0x4c: {  	_ =	shalt  }
0x4d: {  	_ =	shalt  }
0x4e: {  	_ =	shalt  }
0x4f: {  	_ =	shalt  }
0x50: {  	_ =	shalt  }
0x51: {  	_ =	shalt  }
0x52: {  	_ =	shalt  }
0x53: {  	_ =	shalt  }
0x54: {  	_ =	shalt  }
0x55: {  	_ =	shalt  }
0x56: {  	_ =	shalt  }
0x57: {  	_ =	shalt  }
0x58: {  	_ =	shalt  }
0x59: {  	_ =	shalt  }
0x5a: {  	_ =	shalt  }
0x5b: {  	_ =	shalt  }
0x5c: {  	_ =	shalt  }
0x5d: {  	_ =	shalt  }
0x5e: {  	_ =	shalt  }
0x5f: {  	_ =	shalt  }
0x60: {  	_ =	shalt  }
0x61: {  	_ =	shalt  }
0x62: {  	_ =	shalt  }
0x63: {  	_ =	shalt  }
0x64: {  	_ =	shalt  }
0x65: {  	_ =	shalt  }
0x66: {  	_ =	shalt  }
0x67: {  	_ =	shalt  }
0x68: {  	_ =	shalt  }
0x69: {  	_ =	shalt  }
0x6a: {  	_ =	shalt  }
0x6b: {  	_ =	shalt  }
0x6c: {  	_ =	shalt  }
0x6d: {  	_ =	shalt  }
0x6e: {  	_ =	shalt  }
0x6f: {  	_ =	shalt  }
0x70: {  	_ =	shalt  }
0x71: {  	_ =	shalt  }
0x72: {  	_ =	shalt  }
0x73: {  	_ =	shalt  }
0x74: {  	_ =	shalt  }
0x75: {  	_ =	shalt  }
0x76: {  	_ =	shalt  }
0x77: {  	_ =	shalt  }
0x78: {  	_ =	shalt  }
0x79: {  	_ =	shalt  }
0x7a: {  	_ =	shalt  }
0x7b: {  	_ =	shalt  }
0x7c: {  	_ =	shalt  }
0x7d: {  	_ =	shalt  }
0x7e: {  	_ =	shalt  }
0x7f: {  	_ =	shalt  }
0x80: {  	_ =	shalt  }
0x81: {  	_ =	shalt  }
0x82: {  	_ =	shalt  }
0x83: {  	_ =	shalt  }
0x84: {  	_ =	shalt  }
0x85: {  	_ =	shalt  }
0x86: {  	_ =	shalt  }
0x87: {  	_ =	shalt  }
.Lfunc_end0:
.L_simem_size_0:
called_computation_lowered:
.L_overlay_start_0:
0x88: {  	s2 =	sld [smem:$0x3FD9]  }
0x89: {  	s3 =	sld [smem:$0x3FFE];
	_ =	sdelay $0x1  }
0x8a: {  	s1 =	srdreg.scid  }
0x8b: {  	s0 =	sand.u32 $0x1, s1  }
0x8c: {  	s18 =	sshll.u32 s0, $0xA;
	s2 =	sadd.s32 s3, s2  }
0x8d: {  	s2 =	sadd.s32 s2, s18  }
0x8e: {  	[smem:$0x3FC7] =	sst s2  }
0x8f: {  	_ = 	snop  }
0x90: {  	s2 =	sld [smem:$0x3FC9]  }
0x91: {  	s19 =	sld [smem:$0x3FD0];
	(tm) =	ssettm $0x1  }
0x92: {  	s4 =	sld [smem:$0x3FFB];
	_ =	sdelay $0x3  }
0x93: {  	_ =	strace s4  }
0x94: {  	s4 =	sld [smem:$0x3FFC];
	_ =	sdelay $0x3  }
0x95: {  	_ =	strace s4  }
0x96: {  	s4 =	sld [smem:$0x3FFD];
	_ =	sdelay $0x3  }
0x97: {  	_ =	strace s4  }
0x98: {  	_ =	strace $0x8FFFFFFF  }
0x99: {  	s20 =	sld [smem:$0x3FDB];
	_ =	sdelay $0x1  }
0x9a: {  	s5 =	simm.s32 $_scs_section_size  }
0x9b: {  	s6 =	simm.s32 $_size__tile_overlayer_lowered;
	s7 =	simm.s32 $_tile_overlayer_lowered  }
0x9c: {  	s23 =	simm.s32 $0x1BFF;
	s22 =	sshll.u32 s7, $0x1;
	s4 =	sadd.s32 s5, s20  }
0x9d: {  	s8 =	simm.s32 $0x0;
	s21 =	sshll.u32 s6, $0x1;
	s6 =	sadd.s32 s22, s4  }
0x9e: {  	[timem:s8], [sflag:s23] =	dma.local [hbm:s6], s21  }
0x9f: {  	_ =	swait.ge [sflag:s23], s21  }
0xa0: {  	s5 =	ssub.s32 $0x0, s21;
	[sflag:s23] =	ssyncset.done $0x0  }
0xa1: {  	[sflag:s23] =	ssyncadd.s32 s5;
	_ =	sdelay $0x1  }
0xa2: {  	s24 =	simm.s32 $0x1B8B  }
0xa3: {  	_ =	swait.ge [sflag:s24], $0x1  }
0xa4: {  	[sflag:s24] =	ssyncset.done $0x0  }
0xa5: {  	s25 =	simm.s32 $0x1B8E;
	[sflag:s24] =	ssyncadd.s32 $0xFFFFFFFF  }
0xa6: {  	s26 =	simm.s32 $execute0_lowered;
	[smem:$0x3FD2] =	sst s25  }
0xa7: {  	s5 =	sshll.u32 s26, $0x1;
	_ =	strace $0x80000046;
	[dreg:$0x1] =	wrdreg $0xFFFFFFFF  }
0xa8: {  	s28 =	simm.s32 $_size_execute0_lowered;
	s4 =	sadd.s32 s4, s5;
	[dreg:$0x0] =	wrdreg $0x0  }
0xa9: {  	s5 =	sshll.u32 s28, $0x1;
	[dreg:$0x2] =	wrdreg s4  }
0xaa: {  	[dreg:$0x3] =	wrdreg s5  }
0xab: {  	[dreg:$0x4] =	wrdreg $0xC0  }
0xac: {  	_ =	task [dreg:s8], $0x5FFFF  }
0xad: {  	[dreg:$0x1] =	wrdreg $0xFFFFFFFF  }
0xae: {  	[dreg:$0x0] =	wrdreg $0x60  }
0xaf: {  	[dreg:$0x2] =	wrdreg s2  }
0xb0: {  	[dreg:$0x3] =	wrdreg s19  }
0xb1: {  	[dreg:$0x4] =	wrdreg $0x9  }
0xb2: {  	_ =	task.clear_ibuf [dreg:s8], $0x5FFFF;
	_ =	strace $0x90000046  }
0xb3: {  	s29 =	simm.s32 $0x9;
	_ =	strace $0x80000048  }
0xb4: {  	_ =	swait.ge [sflag:s29], $0x1  }
0xb5: {  	[sflag:s29] =	ssyncadd.s32 $0xFFFFFFFF  }
0xb6: {  	_ =	strace $0x90000048  }
0xb7: {  	_ =	sfence  }
0xb8: {  	s30 =	sld [smem:$0x0];
	_ =	sdelay $0x2  }
0xb9: {  	s31 =	sshll.u32 s1, $0xD;
	s1 =	sshrl.u32 s1, $0x2  }
0xba: {  	s3 =	sand.u32 $0x4000, s31;
	s1 =	sadd.s32 s1, s30  }
0xbb: {  	s0 =	sor.u32 s3, s0;
	s1 =	sshll.u32 s1, $0x11  }
0xbc: {  	s0 =	sor.u32 s1, s0  }
0xbd: {  	s0 =	sadd.s32 $0x8F2B, s0  }
0xbe: {  	[sflag:s0] =	ssyncadd.remote.s32 $0x1  }
0xbf: {  	_ =	sfence.sel $0xFFFF  }
0xc0: {  	[dreg:$0x0] =	wrdreg $0xFFFFFFFF;
	(pc) =	sbr.abs _section_cstart, $3  }
0xc1: {  	[dreg:$0x1] =	wrdreg $0xFFFFFFFF  }
0xc2: {  	_ =	task.clear_ibuf [dreg:s8], $0x2FFFF;
	_ =	strace $0x9FFFFFFF  }
0xc3: {  	(tm) =	ssettm $0x7FFFFFFF  }
tec
execute0_lowered:
.L_overlay_start_1:
0x0: {  	(tag) =	ssettag $0x1  }
0x1: {  	s3 =	rddreg [dreg:$0x0]  }
0x2: {  	s4 =	rddreg [dreg:$0x1]  }
0x3: {  	s0 =	rddreg [dreg:$0x2];
	s5 =	srdreg.scid  }
0x4: {  	s2 =	simm.s32 $0x0;
	s1 =	stileid.u32;
	s9 =	simm.s32 $0x0  }
0x5: {  	s5 =	sand.u32 $0x1, s5;
	s7 =	sshll.u32 s1, $0xA;
	[smem:$0x7FF] =	sst s2  }
0x6: {  	s6 =	ssub.s32 $0x2, s5;
	s5 =	sshll.u32 s5, $0x9;
	_ =	strace $0x80000047  }
0x7: {  	s8 =	sshrl.u32 s6, $0x1;
	s5 =	sor.u32 s5, s7;
	s7 =	simm.s32 $0x20000  }
0x8: {  	s6 =	ssub.s32 s6, s8;
	s3 =	sadd.s32 s3, s5;
	s4 =	sadd.s32 s4, s5  }
0x9: {  	s8 =	simm.s32 $0x1;
	s5 =	smax.u32 s6, $0x1;
	s6 =	simm.s32 $0x1000  }
.LBB2_1:
0xa: {  	[tilespmem:s2], [sflag:$0x1] =	stream.strided.gather [hbm4b:s3+s6], $0xC000, s7, s6, $0x38;
	[tilespmem:$0xC000] =	vst v63  }
0xb: {  	_ =	swait.ge [sflag:s8], $0xC000  }
0xc: {  	s10 =	sand.u32 $0xF000, s2;
	s11 =	sand.u32 $0x380, s2;
	[sflag:s8] =	ssyncset.done $0x0  }
0xd: {  	s10 =	sor.u32 s11, s10;
	[sflag:s8] =	ssyncadd.s32 $0xFFFF4000  }
0xe: {  	v0 =	vld [tilespmem:s10+$0x0]  }
0xf: {  	v1 =	vld [tilespmem:s10+$0x10]  }
0x10: {  	v2 =	vld [tilespmem:s10+$0x20]  }
0x11: {  	v3 =	vld [tilespmem:s10+$0x30]  }
0x12: {  	v4 =	vld [tilespmem:s10+$0x40]  }
0x13: {  	v5 =	vld [tilespmem:s10+$0x50];
	v0 =	vadd.f32 $1.000000000e+00, v0  }
0x14: {  	v6 =	vld [tilespmem:s10+$0x60];
	v1 =	vadd.f32 $1.000000000e+00, v1  }
0x15: {  	[tilespmem:s10+$0x0] =	vst v0;
	v0 =	vadd.f32 $1.000000000e+00, v2;
	v2 =	vld [tilespmem:s10+$0x70]  }
0x16: {  	[tilespmem:s10+$0x10] =	vst v1;
	v1 =	vadd.f32 $1.000000000e+00, v3;
	v3 =	vld [tilespmem:s10+$0x400]  }
0x17: {  	[tilespmem:s10+$0x20] =	vst v0;
	v0 =	vadd.f32 $1.000000000e+00, v4;
	v4 =	vld [tilespmem:s10+$0x410]  }
0x18: {  	[tilespmem:s10+$0x30] =	vst v1;
	v1 =	vadd.f32 $1.000000000e+00, v5;
	v5 =	vld [tilespmem:s10+$0x420]  }
0x19: {  	[tilespmem:s10+$0x40] =	vst v0;
	v0 =	vadd.f32 $1.000000000e+00, v6;
	v6 =	vld [tilespmem:s10+$0x430]  }
0x1a: {  	[tilespmem:s10+$0x50] =	vst v1;
	v1 =	vadd.f32 $1.000000000e+00, v2;
	v2 =	vld [tilespmem:s10+$0x440]  }
0x1b: {  	[tilespmem:s10+$0x60] =	vst v0;
	v0 =	vadd.f32 $1.000000000e+00, v3;
	v3 =	vld [tilespmem:s10+$0x450]  }
0x1c: {  	[tilespmem:s10+$0x70] =	vst v1;
	v1 =	vadd.f32 $1.000000000e+00, v4;
	v4 =	vld [tilespmem:s10+$0x460]  }
0x1d: {  	[tilespmem:s10+$0x400] =	vst v0;
	v0 =	vadd.f32 $1.000000000e+00, v5;
	v5 =	vld [tilespmem:s10+$0x470]  }
0x1e: {  	[tilespmem:s10+$0x410] =	vst v1;
	v1 =	vadd.f32 $1.000000000e+00, v6;
	v6 =	vld [tilespmem:s10+$0x800]  }
0x1f: {  	[tilespmem:s10+$0x420] =	vst v0;
	v0 =	vadd.f32 $1.000000000e+00, v2;
	v2 =	vld [tilespmem:s10+$0x810]  }
0x20: {  	[tilespmem:s10+$0x430] =	vst v1;
	v1 =	vadd.f32 $1.000000000e+00, v3;
	v3 =	vld [tilespmem:s10+$0x820]  }
0x21: {  	[tilespmem:s10+$0x440] =	vst v0;
	v0 =	vadd.f32 $1.000000000e+00, v4;
	v4 =	vld [tilespmem:s10+$0x830]  }
0x22: {  	[tilespmem:s10+$0x450] =	vst v1;
	v1 =	vadd.f32 $1.000000000e+00, v5;
	v5 =	vld [tilespmem:s10+$0x840]  }
0x23: {  	[tilespmem:s10+$0x460] =	vst v0;
	v0 =	vadd.f32 $1.000000000e+00, v6;
	v6 =	vld [tilespmem:s10+$0x850]  }
0x24: {  	v7 =	vld [tilespmem:s10+$0x860];
	[tilespmem:s10+$0x470] =	vst v1;
	v1 =	vadd.f32 $1.000000000e+00, v2  }
0x25: {  	v8 =	vld [tilespmem:s10+$0x870];
	[tilespmem:s10+$0x800] =	vst v0;
	v0 =	vadd.f32 $1.000000000e+00, v3  }
0x26: {  	[tilespmem:s10+$0x810] =	vst v1;
	v1 =	vadd.f32 $1.000000000e+00, v4;
	v4 =	vld [tilespmem:s10+$0xC00]  }
0x27: {  	v3 =	vld [tilespmem:s10+$0xC10];
	[tilespmem:s10+$0x820] =	vst v0;
	v0 =	vadd.f32 $1.000000000e+00, v5  }
0x28: {  	v2 =	vld [tilespmem:s10+$0xC20];
	[tilespmem:s10+$0x830] =	vst v1;
	v1 =	vadd.f32 $1.000000000e+00, v6  }
0x29: {  	v5 =	vadd.f32 $1.000000000e+00, v7;
	[tilespmem:s10+$0x840] =	vst v0;
	v0 =	vld [tilespmem:s10+$0xC30]  }
0x2a: {  	v6 =	vadd.f32 $1.000000000e+00, v8;
	[tilespmem:s10+$0x850] =	vst v1;
	v1 =	vld [tilespmem:s10+$0xC40]  }
0x2b: {  	s12 =	simm.s32 $0x200;
	s11 =	simm.s32 $0x80;
	[tilespmem:s10+$0x860] =	vst v5;
	v5 =	vadd.f32 $1.000000000e+00, v4;
	v4 =	vld [tilespmem:s10+$0xC50]  }
.LBB2_2:
0x2c: {  	s13 =	sand.u32 $0xF000, s12;
	s14 =	sand.u32 $0x380, s11;
	p0 =	sne.s32 s12, $0xBE00;
	[tilespmem:s10+$0x870] =	vst v6;
	v3 =	vadd.f32 $1.000000000e+00, v3;
	v6 =	vld [tilespmem:s10+$0xC60]  }
0x2d: {  	s13 =	sor.u32 s14, s13;
	[tilespmem:s10+$0xC00] =	vst v5;
	v2 =	vadd.f32 $1.000000000e+00, v2;
	v5 =	vld [tilespmem:s10+$0xC70]  }
0x2e: {  	v7 =	vld [tilespmem:s13+$0x0];
	[tilespmem:s10+$0xC10] =	vst v3;
	v0 =	vadd.f32 $1.000000000e+00, v0  }
0x2f: {  	v3 =	vld [tilespmem:s13+$0x10];
	[tilespmem:s10+$0xC20] =	vst v2;
	v1 =	vadd.f32 $1.000000000e+00, v1  }
0x30: {  	v2 =	vld [tilespmem:s13+$0x20];
	[tilespmem:s10+$0xC30] =	vst v0;
	v0 =	vadd.f32 $1.000000000e+00, v4  }
0x31: {  	v4 =	vld [tilespmem:s13+$0x30];
	[tilespmem:s10+$0xC40] =	vst v1;
	v1 =	vadd.f32 $1.000000000e+00, v6  }
0x32: {  	v6 =	vld [tilespmem:s13+$0x40];
	[tilespmem:s10+$0xC50] =	vst v0;
	v0 =	vadd.f32 $1.000000000e+00, v5  }
0x33: {  	v5 =	vadd.f32 $1.000000000e+00, v7;
	v7 =	vld [tilespmem:s13+$0x50];
	[tilespmem:s10+$0xC60] =	vst v1  }
0x34: {  	v1 =	vadd.f32 $1.000000000e+00, v3;
	v3 =	vld [tilespmem:s13+$0x60];
	[tilespmem:s10+$0xC70] =	vst v0;
	s10 =	smov.u32 s13  }
0x35: {  	[tilespmem:s10+$0x0] =	vst v5;
	v0 =	vadd.f32 $1.000000000e+00, v2;
	v2 =	vld [tilespmem:s10+$0x70]  }
0x36: {  	[tilespmem:s10+$0x10] =	vst v1;
	v1 =	vadd.f32 $1.000000000e+00, v4;
	v4 =	vld [tilespmem:s10+$0x400]  }
0x37: {  	[tilespmem:s10+$0x20] =	vst v0;
	v0 =	vadd.f32 $1.000000000e+00, v6;
	v5 =	vld [tilespmem:s10+$0x410]  }
0x38: {  	[tilespmem:s10+$0x30] =	vst v1;
	v1 =	vadd.f32 $1.000000000e+00, v7;
	v6 =	vld [tilespmem:s10+$0x420]  }
0x39: {  	[tilespmem:s10+$0x40] =	vst v0;
	v0 =	vadd.f32 $1.000000000e+00, v3;
	v3 =	vld [tilespmem:s10+$0x430]  }
0x3a: {  	[tilespmem:s10+$0x50] =	vst v1;
	v1 =	vadd.f32 $1.000000000e+00, v2;
	v2 =	vld [tilespmem:s10+$0x440]  }
0x3b: {  	[tilespmem:s10+$0x60] =	vst v0;
	v0 =	vadd.f32 $1.000000000e+00, v4;
	v4 =	vld [tilespmem:s10+$0x450]  }
0x3c: {  	[tilespmem:s10+$0x70] =	vst v1;
	v1 =	vadd.f32 $1.000000000e+00, v5;
	v5 =	vld [tilespmem:s10+$0x460]  }
0x3d: {  	[tilespmem:s10+$0x400] =	vst v0;
	v0 =	vadd.f32 $1.000000000e+00, v6;
	v6 =	vld [tilespmem:s10+$0x470]  }
0x3e: {  	[tilespmem:s10+$0x410] =	vst v1;
	v1 =	vadd.f32 $1.000000000e+00, v3;
	v3 =	vld [tilespmem:s10+$0x800]  }
0x3f: {  	[tilespmem:s10+$0x420] =	vst v0;
	v0 =	vadd.f32 $1.000000000e+00, v2;
	v2 =	vld [tilespmem:s10+$0x810]  }
0x40: {  	[tilespmem:s10+$0x430] =	vst v1;
	v1 =	vadd.f32 $1.000000000e+00, v4;
	v4 =	vld [tilespmem:s10+$0x820]  }
0x41: {  	[tilespmem:s10+$0x440] =	vst v0;
	v0 =	vadd.f32 $1.000000000e+00, v5;
	v5 =	vld [tilespmem:s10+$0x830]  }
0x42: {  	[tilespmem:s10+$0x450] =	vst v1;
	v1 =	vadd.f32 $1.000000000e+00, v6;
	v6 =	vld [tilespmem:s10+$0x840]  }
0x43: {  	[tilespmem:s10+$0x460] =	vst v0;
	v0 =	vadd.f32 $1.000000000e+00, v3;
	v7 =	vld [tilespmem:s10+$0x850]  }
0x44: {  	[tilespmem:s10+$0x470] =	vst v1;
	v1 =	vadd.f32 $1.000000000e+00, v2;
	v8 =	vld [tilespmem:s10+$0x860]  }
0x45: {  	[tilespmem:s10+$0x800] =	vst v0;
	v0 =	vadd.f32 $1.000000000e+00, v4;
	v4 =	vld [tilespmem:s10+$0x870]  }
0x46: {  	[tilespmem:s10+$0x810] =	vst v1;
	v1 =	vadd.f32 $1.000000000e+00, v5;
	v5 =	vld [tilespmem:s10+$0xC00]  }
.Ltmp0:
0x47: {  	[tilespmem:s10+$0x820] =	vst v0;
	v0 =	vadd.f32 $1.000000000e+00, v6;
	v3 =	vld [tilespmem:s10+$0xC10];
	(pc) =	sbr.rel @p0 .LBB2_2-.Ltmp0, $4  }
0x48: {  	[tilespmem:s10+$0x830] =	vst v1;
	v1 =	vadd.f32 $1.000000000e+00, v7;
	v2 =	vld [tilespmem:s10+$0xC20]  }
0x49: {  	[tilespmem:s10+$0x840] =	vst v0;
	v7 =	vadd.f32 $1.000000000e+00, v8;
	v0 =	vld [tilespmem:s10+$0xC30]  }
0x4a: {  	[tilespmem:s10+$0x850] =	vst v1;
	v6 =	vadd.f32 $1.000000000e+00, v4;
	v1 =	vld [tilespmem:s10+$0xC40]  }
0x4b: {  	s11 =	sadd.s32 $0x80, s11;
	s12 =	sadd.s32 $0x200, s12;
	[tilespmem:s10+$0x860] =	vst v7;
	v5 =	vadd.f32 $1.000000000e+00, v5;
	v4 =	vld [tilespmem:s10+$0xC50]  }
0x4c: {  	[tilespmem:s10+$0x870] =	vst v6;
	v3 =	vadd.f32 $1.000000000e+00, v3;
	v59 =	vld [tilespmem:s10+$0xC60]  }
0x4d: {  	v60 =	vld [tilespmem:s10+$0xC70];
	[tilespmem:s10+$0xC00] =	vst v5;
	v2 =	vadd.f32 $1.000000000e+00, v2  }
0x4e: {  	[tilespmem:s10+$0xC10] =	vst v3;
	v0 =	vadd.f32 $1.000000000e+00, v0  }
0x4f: {  	[tilespmem:s10+$0xC20] =	vst v2;
	v1 =	vadd.f32 $1.000000000e+00, v1  }
0x50: {  	[tilespmem:s10+$0xC30] =	vst v0;
	v61 =	vadd.f32 $1.000000000e+00, v4  }
0x51: {  	[tilespmem:s10+$0xC40] =	vst v1;
	v62 =	vadd.f32 $1.000000000e+00, v59  }
0x52: {  	s9 =	sadd.s32 $0x1, s9;
	v63 =	vadd.f32 $1.000000000e+00, v60;
	[tilespmem:s10+$0xC50] =	vst v61  }
0x53: {  	p0 =	sne.s32 s9, s5;
	[tilespmem:s10+$0xC60] =	vst v62  }
.Ltmp1:
0x54: {  	[tilespmem:s10+$0xC70] =	vst v63;
	(pc) =	sbr.rel @p0 .LBB2_1-.Ltmp1, $4  }
0x55: {  	[hbm4b:s4+s6] =	stream.strided.scatter [tilespmem:s2], [sflag:$0x1], $0xC000, s7, s6, $0x38;
	[tilespmem:$0xC000] =	vst v63  }
0x56: {  	_ =	swait.ge [sflag:s8], $0xC000  }
0x57: {  	[sflag:s8] =	ssyncset.done $0x0  }
0x58: {  	[sflag:s8] =	ssyncadd.s32 $0xFFFF4000  }
0x59: {  	_ =	sfence.sel $0x180000  }
0x5a: {  	[bflag:$0x0] =	sbarrier.arrive $0xFFFF  }
0x5b: {  	p0 =	sne.s32 s1, $0x0;
	_ =	strace $0x90000047  }
0x5c: {  	s0 =	sadd.s32 @!p0 $0x100000, s0;
	[bflag:$0x2] =	sbarrier.arrive $0xFFFF  }
0x5d: {  	[sflag:s0] =	ssyncadd.tile.s32 @!p0 $0x1;
	_ =	shalt  }
.Lfunc_end2:
_tile_overlayer_lowered:
.L_overlay_start_2:
0x5e: {  	(tag) =	ssettag $0x2  }
0x5f: {  	s0 =	rddreg [dreg:$0x0];
	s2 =	stileid.u32  }
0x60: {  	s1 =	rddreg [dreg:$0x1];
	p0 =	sne.s32 s2, $0x0  }
0x61: {  	s3 =	rddreg [dreg:$0x2];
	[bflag:$0x3] =	sbarrier.arrive $0xFFFF;
	s2 =	simm.s32 @!p0 $0x1C02  }
0x62: {  	[timem:s3], [sflag:s2] =	dma.local @!p0 [hbm:s0], s1  }
0x63: {  	s0 =	simm.s32 @!p0 $0x2  }
0x64: {  	_ =	swait.ge @!p0 [sflag:s0], s1  }
0x65: {  	s1 =	ssub.s32 @!p0 $0x0, s1;
	[sflag:s0] =	ssyncset.done @!p0 $0x0  }
0x66: {  	[sflag:s0] =	ssyncadd.s32 @!p0 s1  }
0x67: {  	[bflag:$0x3] =	sbarrier.arrive $0xFFFF  }
0x68: {  	_ =	shalt  }

</sc_bundles>
